<compile_context>
chip_gen: v7x
topology: tpu7x:2x2x1
jax: 0.10.2.dev20260603
libtpu: 0.0.44.dev20260713+nightly
codegen_flags: <defaults>
</compile_context>

<pallas_src>
import functools

import jax
import jax.numpy as jnp
from jax import lax
from jax.experimental import pallas as pl
from jax.experimental.pallas import tpu as pltpu
from jax.experimental.pallas import tpu_sc as plsc

NC = 2
NS = 16
NW = NC * NS
LANES = 16


def _emb_body(x_hbm, tokT_hbm, posT_hbm, outT_hbm, row_v, idx_v, pos_v, o_v,
              *, B, T, V, E):
    wid = lax.axis_index("s") * NC + lax.axis_index("c")
    e_per_w = E // NW

    for el in range(e_per_w):
        e = wid * e_per_w + el
        pltpu.sync_copy(tokT_hbm.at[e], row_v)
        pltpu.sync_copy(posT_hbm.at[e], pos_v)

        def b_body(b, _):
            pltpu.sync_copy(x_hbm.at[b], idx_v)

            def g_body(g, _):
                idx = idx_v[pl.ds(g * LANES, LANES)]
                vals = plsc.load_gather(row_v, [idx])
                o_v[pl.ds(g * LANES, LANES)] = vals + pos_v[pl.ds(g * LANES, LANES)]
                return 0

            lax.fori_loop(0, T // LANES, g_body, 0, unroll=8)
            pltpu.sync_copy(o_v, outT_hbm.at[b, e])
            return 0

        lax.fori_loop(0, B, b_body, 0)


def kernel(x, token_embedding_table, position_embedding_table):
    B, T = x.shape
    V, E = token_embedding_table.shape
    x32 = x.astype(jnp.int32)
    tokT = token_embedding_table.T
    posT = position_embedding_table.T

    mesh = plsc.VectorSubcoreMesh(core_axis_name="c", subcore_axis_name="s")
    body = functools.partial(_emb_body, B=B, T=T, V=V, E=E)
    run = pl.kernel(
        body,
        out_type=jax.ShapeDtypeStruct((B, E, T), jnp.float32),
        mesh=mesh,
        scratch_types=[
            pltpu.VMEM((V,), jnp.float32),
            pltpu.VMEM((T,), jnp.int32),
            pltpu.VMEM((T,), jnp.float32),
            pltpu.VMEM((T,), jnp.float32),
        ],
        compiler_params=pltpu.CompilerParams(needs_layout_passes=False),
    )
    outT = run(x32, tokT, posT)
    return outT.transpose(0, 2, 1)

# --- scband reference (transcript-rebuilt; emitter-appended) ---
"""Pipeline reference for scband-input-embeddings-41824391528548 (READ-ONLY COPY).

The authoritative reference and input builder live on the scoring server;
editing this copy changes nothing except your own understanding.
"""

import jax, jax.numpy as jnp
import numpy as np

VOCAB = 100000
EMB = 64
BLOCK = 2048
B = 64
T = 2048

def setup_inputs(seed: int = 0) -> dict:
    key = jax.random.key(seed)
    k1, k2, k3 = jax.random.split(key, 3)
    x = jax.random.randint(k1, (B, T), 0, VOCAB, dtype=jnp.int64 if jax.config.jax_enable_x64 else jnp.int32)
    token_embedding_table = jax.random.normal(k2, (VOCAB, EMB), dtype=jnp.float32) * 0.02
    position_embedding_table = jax.random.normal(k3, (BLOCK, EMB), dtype=jnp.float32) * 0.02
    return {"x": x, "token_embedding_table": token_embedding_table, "position_embedding_table": position_embedding_table}

def reference(x, token_embedding_table, position_embedding_table):
    Bv, Tv = x.shape
    tok_embd = jnp.take(token_embedding_table, x, axis=0)          # [B, T, EMB] gather
    pos_idx = jnp.arange(BLOCK)[:Tv]
    pos_embd = jnp.take(position_embedding_table, pos_idx, axis=0)  # [T, EMB]
    return tok_embd + pos_embd[None, :, :]

if __name__ == "__main__":
    import jax
    _d = setup_inputs()
    print(jax.jit(kernel)(*tuple(_d.values())))

</pallas_src>

<mosaic_0001>
#map = affine_map<(d0, d1) -> (0, 0)>
#map1 = affine_map<(d0, d1) -> (0, 0, 0)>
module attributes {stable_mosaic.version = 14 : i64} {
  func.func @_emb_body(%arg0: i32, %arg1: i32, %arg2: memref<64x2048xi32, #tpu.memory_space<hbm>>, %arg3: memref<64x100000xf32, #tpu.memory_space<hbm>>, %arg4: memref<64x2048xf32, #tpu.memory_space<hbm>>, %arg5: memref<64x64x2048xf32, #tpu.memory_space<hbm>>, %arg6: memref<100000xf32, #tpu.memory_space<vmem>>, %arg7: memref<2048xi32, #tpu.memory_space<vmem>>, %arg8: memref<2048xf32, #tpu.memory_space<vmem>>, %arg9: memref<2048xf32, #tpu.memory_space<vmem>>) attributes {dimension_semantics = [#tpu.dimension_semantics<core_parallel>, #tpu.dimension_semantics<subcore_parallel>], iteration_bounds = array<i64: 2, 16>, scalar_prefetch = 0 : i64, scratch_operands = 4 : i64, tpu.core_type = #tpu.core_type<sc_vector_subcore>, window_params = [{transform_indices = #map}, {transform_indices = #map}, {transform_indices = #map}, {transform_indices = #map1}]} {
    %mul3A = arith.constant 2 : i32
    %mul3A_0 = arith.muli %arg1, %mul3A : i32
    %add3A = arith.addi %mul3A_0, %arg0 : i32
    %mul3A_1 = arith.constant 2 : i32
    %mul3A_2 = arith.muli %add3A, %mul3A_1 : i32
    %add3A_3 = arith.constant 0 : i32
    %add3A_4 = arith.addi %mul3A_2, %add3A_3 : i32
    "tpu.region"() ({
      %run_scoped3A = tpu.sem_alloc : memref<!tpu.dma_semaphore, #tpu.memory_space<semaphore_mem>>
      %dma_start3A = arith.constant 0 : i32
      %dma_start3A_22 = tpu.memref_slice %arg3[%add3A_4, %dma_start3A] : memref<64x100000xf32, #tpu.memory_space<hbm>> -> memref<1x100000xf32, #tpu.memory_space<hbm>>
      %dma_start3A_23 = tpu.memref_squeeze %dma_start3A_22 : memref<1x100000xf32, #tpu.memory_space<hbm>> -> memref<100000xf32, #tpu.memory_space<hbm>>
      %dma_start3A_24 = arith.constant 0 : i32
      %dma_start3A_25 = tpu.memref_slice %arg3[%add3A_4, %dma_start3A_24] : memref<64x100000xf32, #tpu.memory_space<hbm>> -> memref<1x100000xf32, #tpu.memory_space<hbm>>
      %dma_start3A_26 = tpu.memref_squeeze %dma_start3A_25 : memref<1x100000xf32, #tpu.memory_space<hbm>> -> memref<100000xf32, #tpu.memory_space<hbm>>
      tpu.enqueue_dma source(%dma_start3A_26 : memref<100000xf32, #tpu.memory_space<hbm>>) target(%arg6 : memref<100000xf32, #tpu.memory_space<vmem>>) target_semaphore(%run_scoped3A : memref<!tpu.dma_semaphore, #tpu.memory_space<semaphore_mem>>)
      %dma_wait3A = arith.constant 0 : i32
      %dma_wait3A_27 = tpu.memref_slice %arg3[%add3A_4, %dma_wait3A] : memref<64x100000xf32, #tpu.memory_space<hbm>> -> memref<1x100000xf32, #tpu.memory_space<hbm>>
      %dma_wait3A_28 = tpu.memref_squeeze %dma_wait3A_27 : memref<1x100000xf32, #tpu.memory_space<hbm>> -> memref<100000xf32, #tpu.memory_space<hbm>>
      %dma_wait3A_29 = arith.constant 0 : i32
      %dma_wait3A_30 = tpu.memref_slice %arg3[%add3A_4, %dma_wait3A_29] : memref<64x100000xf32, #tpu.memory_space<hbm>> -> memref<1x100000xf32, #tpu.memory_space<hbm>>
      %dma_wait3A_31 = tpu.memref_squeeze %dma_wait3A_30 : memref<1x100000xf32, #tpu.memory_space<hbm>> -> memref<100000xf32, #tpu.memory_space<hbm>>
      tpu.wait_dma2 semaphore(%run_scoped3A : memref<!tpu.dma_semaphore, #tpu.memory_space<semaphore_mem>>) src(%dma_wait3A_31 : memref<100000xf32, #tpu.memory_space<hbm>>) dst(%arg6 : memref<100000xf32, #tpu.memory_space<vmem>>)
      tpu.yield
    }) : () -> ()
    "tpu.region"() ({
      %run_scoped3A = tpu.sem_alloc : memref<!tpu.dma_semaphore, #tpu.memory_space<semaphore_mem>>
      %dma_start3A = arith.constant 0 : i32
      %dma_start3A_22 = tpu.memref_slice %arg4[%add3A_4, %dma_start3A] : memref<64x2048xf32, #tpu.memory_space<hbm>> -> memref<1x2048xf32, #tpu.memory_space<hbm>>
      %dma_start3A_23 = tpu.memref_squeeze %dma_start3A_22 : memref<1x2048xf32, #tpu.memory_space<hbm>> -> memref<2048xf32, #tpu.memory_space<hbm>>
      %dma_start3A_24 = arith.constant 0 : i32
      %dma_start3A_25 = tpu.memref_slice %arg4[%add3A_4, %dma_start3A_24] : memref<64x2048xf32, #tpu.memory_space<hbm>> -> memref<1x2048xf32, #tpu.memory_space<hbm>>
      %dma_start3A_26 = tpu.memref_squeeze %dma_start3A_25 : memref<1x2048xf32, #tpu.memory_space<hbm>> -> memref<2048xf32, #tpu.memory_space<hbm>>
      tpu.enqueue_dma source(%dma_start3A_26 : memref<2048xf32, #tpu.memory_space<hbm>>) target(%arg8 : memref<2048xf32, #tpu.memory_space<vmem>>) target_semaphore(%run_scoped3A : memref<!tpu.dma_semaphore, #tpu.memory_space<semaphore_mem>>)
      %dma_wait3A = arith.constant 0 : i32
      %dma_wait3A_27 = tpu.memref_slice %arg4[%add3A_4, %dma_wait3A] : memref<64x2048xf32, #tpu.memory_space<hbm>> -> memref<1x2048xf32, #tpu.memory_space<hbm>>
      %dma_wait3A_28 = tpu.memref_squeeze %dma_wait3A_27 : memref<1x2048xf32, #tpu.memory_space<hbm>> -> memref<2048xf32, #tpu.memory_space<hbm>>
      %dma_wait3A_29 = arith.constant 0 : i32
      %dma_wait3A_30 = tpu.memref_slice %arg4[%add3A_4, %dma_wait3A_29] : memref<64x2048xf32, #tpu.memory_space<hbm>> -> memref<1x2048xf32, #tpu.memory_space<hbm>>
      %dma_wait3A_31 = tpu.memref_squeeze %dma_wait3A_30 : memref<1x2048xf32, #tpu.memory_space<hbm>> -> memref<2048xf32, #tpu.memory_space<hbm>>
      tpu.wait_dma2 semaphore(%run_scoped3A : memref<!tpu.dma_semaphore, #tpu.memory_space<semaphore_mem>>) src(%dma_wait3A_31 : memref<2048xf32, #tpu.memory_space<hbm>>) dst(%arg8 : memref<2048xf32, #tpu.memory_space<vmem>>)
      tpu.yield
    }) : () -> ()
    %scan3A = arith.constant 0 : i32
    %scan3A_5 = arith.constant 0 : i32
    %scan3A_6 = arith.constant 64 : i32
    %scan3A_7 = arith.addi %scan3A_5, %scan3A_6 : i32
    %scan3A_8 = arith.constant 1 : i32
    %scan3A_9 = scf.for %scan3A_22 = %scan3A_5 to %scan3A_7 step %scan3A_8 iter_args(%scan3A_23 = %scan3A) -> (i32)  : i32 {
      "tpu.region"() ({
        %run_scoped3A = tpu.sem_alloc : memref<!tpu.dma_semaphore, #tpu.memory_space<semaphore_mem>>
        %dma_start3A = arith.constant 0 : i32
        %dma_start3A_32 = tpu.memref_slice %arg2[%scan3A_22, %dma_start3A] : memref<64x2048xi32, #tpu.memory_space<hbm>> -> memref<1x2048xi32, #tpu.memory_space<hbm>>
        %dma_start3A_33 = tpu.memref_squeeze %dma_start3A_32 : memref<1x2048xi32, #tpu.memory_space<hbm>> -> memref<2048xi32, #tpu.memory_space<hbm>>
        %dma_start3A_34 = arith.constant 0 : i32
        %dma_start3A_35 = tpu.memref_slice %arg2[%scan3A_22, %dma_start3A_34] : memref<64x2048xi32, #tpu.memory_space<hbm>> -> memref<1x2048xi32, #tpu.memory_space<hbm>>
        %dma_start3A_36 = tpu.memref_squeeze %dma_start3A_35 : memref<1x2048xi32, #tpu.memory_space<hbm>> -> memref<2048xi32, #tpu.memory_space<hbm>>
        tpu.enqueue_dma source(%dma_start3A_36 : memref<2048xi32, #tpu.memory_space<hbm>>) target(%arg7 : memref<2048xi32, #tpu.memory_space<vmem>>) target_semaphore(%run_scoped3A : memref<!tpu.dma_semaphore, #tpu.memory_space<semaphore_mem>>)
        %dma_wait3A = arith.constant 0 : i32
        %dma_wait3A_37 = tpu.memref_slice %arg2[%scan3A_22, %dma_wait3A] : memref<64x2048xi32, #tpu.memory_space<hbm>> -> memref<1x2048xi32, #tpu.memory_space<hbm>>
        %dma_wait3A_38 = tpu.memref_squeeze %dma_wait3A_37 : memref<1x2048xi32, #tpu.memory_space<hbm>> -> memref<2048xi32, #tpu.memory_space<hbm>>
        %dma_wait3A_39 = arith.constant 0 : i32
        %dma_wait3A_40 = tpu.memref_slice %arg2[%scan3A_22, %dma_wait3A_39] : memref<64x2048xi32, #tpu.memory_space<hbm>> -> memref<1x2048xi32, #tpu.memory_space<hbm>>
        %dma_wait3A_41 = tpu.memref_squeeze %dma_wait3A_40 : memref<1x2048xi32, #tpu.memory_space<hbm>> -> memref<2048xi32, #tpu.memory_space<hbm>>
        tpu.wait_dma2 semaphore(%run_scoped3A : memref<!tpu.dma_semaphore, #tpu.memory_space<semaphore_mem>>) src(%dma_wait3A_41 : memref<2048xi32, #tpu.memory_space<hbm>>) dst(%arg7 : memref<2048xi32, #tpu.memory_space<vmem>>)
        tpu.yield
      }) : () -> ()
      %scan3A_24 = arith.constant 0 : i32
      %scan3A_25 = arith.constant 0 : i32
      %scan3A_26 = arith.constant 128 : i32
      %scan3A_27 = arith.addi %scan3A_25, %scan3A_26 : i32
      %scan3A_28 = arith.constant 8 : i32
      %scan3A_29 = scf.for %scan3A_32 = %scan3A_25 to %scan3A_27 step %scan3A_28 iter_args(%scan3A_33 = %scan3A_24) -> (i32)  : i32 {
        %mul3A_34 = arith.constant 16 : i32
        %mul3A_35 = arith.muli %scan3A_32, %mul3A_34 : i32
        %get3A = arith.index_cast %mul3A_35 : i32 to index
        %get3A_36 = tpu.vector_load %arg7[%get3A] {strides = array<i32>} : memref<2048xi32, #tpu.memory_space<vmem>>, vector<16xi32>,
        %gather3A = tpu.vector_load_idx %arg6[%get3A_36] : memref<100000xf32, #tpu.memory_space<vmem>>[vector<16xi32>], vector<16xf32>,
        %mul3A_37 = arith.constant 16 : i32
        %mul3A_38 = arith.muli %scan3A_32, %mul3A_37 : i32
        %get3A_39 = arith.index_cast %mul3A_38 : i32 to index
        %get3A_40 = tpu.vector_load %arg8[%get3A_39] {strides = array<i32>} : memref<2048xf32, #tpu.memory_space<vmem>>, vector<16xf32>,
        %add3A_41 = arith.addf %gather3A, %get3A_40 : vector<16xf32>
        %mul3A_42 = arith.constant 16 : i32
        %mul3A_43 = arith.muli %scan3A_32, %mul3A_42 : i32
        %swap3A = arith.index_cast %mul3A_43 : i32 to index
        %swap3A_44 = tpu.vector_load %arg9[%swap3A] {strides = array<i32>} : memref<2048xf32, #tpu.memory_space<vmem>>, vector<16xf32>,
        tpu.vector_store %arg9[%swap3A], %add3A_41 {strides = array<i32>} : memref<2048xf32, #tpu.memory_space<vmem>>, vector<16xf32>,
        %scan3A_45 = arith.constant 0 : i32
        %scan3A_46 = arith.constant 1 : i32
        %scan3A_47 = arith.addi %scan3A_32, %scan3A_46 : i32
        %mul3A_48 = arith.constant 16 : i32
        %mul3A_49 = arith.muli %scan3A_47, %mul3A_48 : i32
        %get3A_50 = arith.index_cast %mul3A_49 : i32 to index
        %get3A_51 = tpu.vector_load %arg7[%get3A_50] {strides = array<i32>} : memref<2048xi32, #tpu.memory_space<vmem>>, vector<16xi32>,
        %gather3A_52 = tpu.vector_load_idx %arg6[%get3A_51] : memref<100000xf32, #tpu.memory_space<vmem>>[vector<16xi32>], vector<16xf32>,
        %mul3A_53 = arith.constant 16 : i32
        %mul3A_54 = arith.muli %scan3A_47, %mul3A_53 : i32
        %get3A_55 = arith.index_cast %mul3A_54 : i32 to index
        %get3A_56 = tpu.vector_load %arg8[%get3A_55] {strides = array<i32>} : memref<2048xf32, #tpu.memory_space<vmem>>, vector<16xf32>,
        %add3A_57 = arith.addf %gather3A_52, %get3A_56 : vector<16xf32>
        %mul3A_58 = arith.constant 16 : i32
        %mul3A_59 = arith.muli %scan3A_47, %mul3A_58 : i32
        %swap3A_60 = arith.index_cast %mul3A_59 : i32 to index
        %swap3A_61 = tpu.vector_load %arg9[%swap3A_60] {strides = array<i32>} : memref<2048xf32, #tpu.memory_space<vmem>>, vector<16xf32>,
        tpu.vector_store %arg9[%swap3A_60], %add3A_57 {strides = array<i32>} : memref<2048xf32, #tpu.memory_space<vmem>>, vector<16xf32>,
        %scan3A_62 = arith.constant 0 : i32
        %scan3A_63 = arith.constant 2 : i32
        %scan3A_64 = arith.addi %scan3A_32, %scan3A_63 : i32
        %mul3A_65 = arith.constant 16 : i32
        %mul3A_66 = arith.muli %scan3A_64, %mul3A_65 : i32
        %get3A_67 = arith.index_cast %mul3A_66 : i32 to index
        %get3A_68 = tpu.vector_load %arg7[%get3A_67] {strides = array<i32>} : memref<2048xi32, #tpu.memory_space<vmem>>, vector<16xi32>,
        %gather3A_69 = tpu.vector_load_idx %arg6[%get3A_68] : memref<100000xf32, #tpu.memory_space<vmem>>[vector<16xi32>], vector<16xf32>,
        %mul3A_70 = arith.constant 16 : i32
        %mul3A_71 = arith.muli %scan3A_64, %mul3A_70 : i32
        %get3A_72 = arith.index_cast %mul3A_71 : i32 to index
        %get3A_73 = tpu.vector_load %arg8[%get3A_72] {strides = array<i32>} : memref<2048xf32, #tpu.memory_space<vmem>>, vector<16xf32>,
        %add3A_74 = arith.addf %gather3A_69, %get3A_73 : vector<16xf32>
        %mul3A_75 = arith.constant 16 : i32
        %mul3A_76 = arith.muli %scan3A_64, %mul3A_75 : i32
        %swap3A_77 = arith.index_cast %mul3A_76 : i32 to index
        %swap3A_78 = tpu.vector_load %arg9[%swap3A_77] {strides = array<i32>} : memref<2048xf32, #tpu.memory_space<vmem>>, vector<16xf32>,
        tpu.vector_store %arg9[%swap3A_77], %add3A_74 {strides = array<i32>} : memref<2048xf32, #tpu.memory_space<vmem>>, vector<16xf32>,
        %scan3A_79 = arith.constant 0 : i32
        %scan3A_80 = arith.constant 3 : i32
        %scan3A_81 = arith.addi %scan3A_32, %scan3A_80 : i32
        %mul3A_82 = arith.constant 16 : i32
        %mul3A_83 = arith.muli %scan3A_81, %mul3A_82 : i32
        %get3A_84 = arith.index_cast %mul3A_83 : i32 to index
        %get3A_85 = tpu.vector_load %arg7[%get3A_84] {strides = array<i32>} : memref<2048xi32, #tpu.memory_space<vmem>>, vector<16xi32>,
        %gather3A_86 = tpu.vector_load_idx %arg6[%get3A_85] : memref<100000xf32, #tpu.memory_space<vmem>>[vector<16xi32>], vector<16xf32>,
        %mul3A_87 = arith.constant 16 : i32
        %mul3A_88 = arith.muli %scan3A_81, %mul3A_87 : i32
        %get3A_89 = arith.index_cast %mul3A_88 : i32 to index
        %get3A_90 = tpu.vector_load %arg8[%get3A_89] {strides = array<i32>} : memref<2048xf32, #tpu.memory_space<vmem>>, vector<16xf32>,
        %add3A_91 = arith.addf %gather3A_86, %get3A_90 : vector<16xf32>
        %mul3A_92 = arith.constant 16 : i32
        %mul3A_93 = arith.muli %scan3A_81, %mul3A_92 : i32
        %swap3A_94 = arith.index_cast %mul3A_93 : i32 to index
        %swap3A_95 = tpu.vector_load %arg9[%swap3A_94] {strides = array<i32>} : memref<2048xf32, #tpu.memory_space<vmem>>, vector<16xf32>,
        tpu.vector_store %arg9[%swap3A_94], %add3A_91 {strides = array<i32>} : memref<2048xf32, #tpu.memory_space<vmem>>, vector<16xf32>,
        %scan3A_96 = arith.constant 0 : i32
        %scan3A_97 = arith.constant 4 : i32
        %scan3A_98 = arith.addi %scan3A_32, %scan3A_97 : i32
        %mul3A_99 = arith.constant 16 : i32
        %mul3A_100 = arith.muli %scan3A_98, %mul3A_99 : i32
        %get3A_101 = arith.index_cast %mul3A_100 : i32 to index
        %get3A_102 = tpu.vector_load %arg7[%get3A_101] {strides = array<i32>} : memref<2048xi32, #tpu.memory_space<vmem>>, vector<16xi32>,
        %gather3A_103 = tpu.vector_load_idx %arg6[%get3A_102] : memref<100000xf32, #tpu.memory_space<vmem>>[vector<16xi32>], vector<16xf32>,
        %mul3A_104 = arith.constant 16 : i32
        %mul3A_105 = arith.muli %scan3A_98, %mul3A_104 : i32
        %get3A_106 = arith.index_cast %mul3A_105 : i32 to index
        %get3A_107 = tpu.vector_load %arg8[%get3A_106] {strides = array<i32>} : memref<2048xf32, #tpu.memory_space<vmem>>, vector<16xf32>,
        %add3A_108 = arith.addf %gather3A_103, %get3A_107 : vector<16xf32>
        %mul3A_109 = arith.constant 16 : i32
        %mul3A_110 = arith.muli %scan3A_98, %mul3A_109 : i32
        %swap3A_111 = arith.index_cast %mul3A_110 : i32 to index
        %swap3A_112 = tpu.vector_load %arg9[%swap3A_111] {strides = array<i32>} : memref<2048xf32, #tpu.memory_space<vmem>>, vector<16xf32>,
        tpu.vector_store %arg9[%swap3A_111], %add3A_108 {strides = array<i32>} : memref<2048xf32, #tpu.memory_space<vmem>>, vector<16xf32>,
        %scan3A_113 = arith.constant 0 : i32
        %scan3A_114 = arith.constant 5 : i32
        %scan3A_115 = arith.addi %scan3A_32, %scan3A_114 : i32
        %mul3A_116 = arith.constant 16 : i32
        %mul3A_117 = arith.muli %scan3A_115, %mul3A_116 : i32
        %get3A_118 = arith.index_cast %mul3A_117 : i32 to index
        %get3A_119 = tpu.vector_load %arg7[%get3A_118] {strides = array<i32>} : memref<2048xi32, #tpu.memory_space<vmem>>, vector<16xi32>,
        %gather3A_120 = tpu.vector_load_idx %arg6[%get3A_119] : memref<100000xf32, #tpu.memory_space<vmem>>[vector<16xi32>], vector<16xf32>,
        %mul3A_121 = arith.constant 16 : i32
        %mul3A_122 = arith.muli %scan3A_115, %mul3A_121 : i32
        %get3A_123 = arith.index_cast %mul3A_122 : i32 to index
        %get3A_124 = tpu.vector_load %arg8[%get3A_123] {strides = array<i32>} : memref<2048xf32, #tpu.memory_space<vmem>>, vector<16xf32>,
        %add3A_125 = arith.addf %gather3A_120, %get3A_124 : vector<16xf32>
        %mul3A_126 = arith.constant 16 : i32
        %mul3A_127 = arith.muli %scan3A_115, %mul3A_126 : i32
        %swap3A_128 = arith.index_cast %mul3A_127 : i32 to index
        %swap3A_129 = tpu.vector_load %arg9[%swap3A_128] {strides = array<i32>} : memref<2048xf32, #tpu.memory_space<vmem>>, vector<16xf32>,
        tpu.vector_store %arg9[%swap3A_128], %add3A_125 {strides = array<i32>} : memref<2048xf32, #tpu.memory_space<vmem>>, vector<16xf32>,
        %scan3A_130 = arith.constant 0 : i32
        %scan3A_131 = arith.constant 6 : i32
        %scan3A_132 = arith.addi %scan3A_32, %scan3A_131 : i32
        %mul3A_133 = arith.constant 16 : i32
        %mul3A_134 = arith.muli %scan3A_132, %mul3A_133 : i32
        %get3A_135 = arith.index_cast %mul3A_134 : i32 to index
        %get3A_136 = tpu.vector_load %arg7[%get3A_135] {strides = array<i32>} : memref<2048xi32, #tpu.memory_space<vmem>>, vector<16xi32>,
        %gather3A_137 = tpu.vector_load_idx %arg6[%get3A_136] : memref<100000xf32, #tpu.memory_space<vmem>>[vector<16xi32>], vector<16xf32>,
        %mul3A_138 = arith.constant 16 : i32
        %mul3A_139 = arith.muli %scan3A_132, %mul3A_138 : i32
        %get3A_140 = arith.index_cast %mul3A_139 : i32 to index
        %get3A_141 = tpu.vector_load %arg8[%get3A_140] {strides = array<i32>} : memref<2048xf32, #tpu.memory_space<vmem>>, vector<16xf32>,
        %add3A_142 = arith.addf %gather3A_137, %get3A_141 : vector<16xf32>
        %mul3A_143 = arith.constant 16 : i32
        %mul3A_144 = arith.muli %scan3A_132, %mul3A_143 : i32
        %swap3A_145 = arith.index_cast %mul3A_144 : i32 to index
        %swap3A_146 = tpu.vector_load %arg9[%swap3A_145] {strides = array<i32>} : memref<2048xf32, #tpu.memory_space<vmem>>, vector<16xf32>,
        tpu.vector_store %arg9[%swap3A_145], %add3A_142 {strides = array<i32>} : memref<2048xf32, #tpu.memory_space<vmem>>, vector<16xf32>,
        %scan3A_147 = arith.constant 0 : i32
        %scan3A_148 = arith.constant 7 : i32
        %scan3A_149 = arith.addi %scan3A_32, %scan3A_148 : i32
        %mul3A_150 = arith.constant 16 : i32
        %mul3A_151 = arith.muli %scan3A_149, %mul3A_150 : i32
        %get3A_152 = arith.index_cast %mul3A_151 : i32 to index
        %get3A_153 = tpu.vector_load %arg7[%get3A_152] {strides = array<i32>} : memref<2048xi32, #tpu.memory_space<vmem>>, vector<16xi32>,
        %gather3A_154 = tpu.vector_load_idx %arg6[%get3A_153] : memref<100000xf32, #tpu.memory_space<vmem>>[vector<16xi32>], vector<16xf32>,
        %mul3A_155 = arith.constant 16 : i32
        %mul3A_156 = arith.muli %scan3A_149, %mul3A_155 : i32
        %get3A_157 = arith.index_cast %mul3A_156 : i32 to index
        %get3A_158 = tpu.vector_load %arg8[%get3A_157] {strides = array<i32>} : memref<2048xf32, #tpu.memory_space<vmem>>, vector<16xf32>,
        %add3A_159 = arith.addf %gather3A_154, %get3A_158 : vector<16xf32>
        %mul3A_160 = arith.constant 16 : i32
        %mul3A_161 = arith.muli %scan3A_149, %mul3A_160 : i32
        %swap3A_162 = arith.index_cast %mul3A_161 : i32 to index
        %swap3A_163 = tpu.vector_load %arg9[%swap3A_162] {strides = array<i32>} : memref<2048xf32, #tpu.memory_space<vmem>>, vector<16xf32>,
        tpu.vector_store %arg9[%swap3A_162], %add3A_159 {strides = array<i32>} : memref<2048xf32, #tpu.memory_space<vmem>>, vector<16xf32>,
        %scan3A_164 = arith.constant 0 : i32
        scf.yield %scan3A_164 : i32
      }
      %scan3A_30 = arith.constant 128 : i32
      "tpu.region"() ({
        %run_scoped3A = tpu.sem_alloc : memref<!tpu.dma_semaphore, #tpu.memory_space<semaphore_mem>>
        %dma_start3A = arith.constant 0 : i32
        %dma_start3A_32 = tpu.memref_slice %arg5[%scan3A_22, %add3A_4, %dma_start3A] : memref<64x64x2048xf32, #tpu.memory_space<hbm>> -> memref<1x1x2048xf32, #tpu.memory_space<hbm>>
        %dma_start3A_33 = tpu.memref_squeeze %dma_start3A_32 : memref<1x1x2048xf32, #tpu.memory_space<hbm>> -> memref<2048xf32, #tpu.memory_space<hbm>>
        %dma_start3A_34 = arith.constant 0 : i32
        %dma_start3A_35 = tpu.memref_slice %arg5[%scan3A_22, %add3A_4, %dma_start3A_34] : memref<64x64x2048xf32, #tpu.memory_space<hbm>> -> memref<1x1x2048xf32, #tpu.memory_space<hbm>>
        %dma_start3A_36 = tpu.memref_squeeze %dma_start3A_35 : memref<1x1x2048xf32, #tpu.memory_space<hbm>> -> memref<2048xf32, #tpu.memory_space<hbm>>
        tpu.enqueue_dma source(%arg9 : memref<2048xf32, #tpu.memory_space<vmem>>) target(%dma_start3A_36 : memref<2048xf32, #tpu.memory_space<hbm>>) target_semaphore(%run_scoped3A : memref<!tpu.dma_semaphore, #tpu.memory_space<semaphore_mem>>)
        %dma_wait3A = arith.constant 0 : i32
        %dma_wait3A_37 = tpu.memref_slice %arg5[%scan3A_22, %add3A_4, %dma_wait3A] : memref<64x64x2048xf32, #tpu.memory_space<hbm>> -> memref<1x1x2048xf32, #tpu.memory_space<hbm>>
        %dma_wait3A_38 = tpu.memref_squeeze %dma_wait3A_37 : memref<1x1x2048xf32, #tpu.memory_space<hbm>> -> memref<2048xf32, #tpu.memory_space<hbm>>
        %dma_wait3A_39 = arith.constant 0 : i32
        %dma_wait3A_40 = tpu.memref_slice %arg5[%scan3A_22, %add3A_4, %dma_wait3A_39] : memref<64x64x2048xf32, #tpu.memory_space<hbm>> -> memref<1x1x2048xf32, #tpu.memory_space<hbm>>
        %dma_wait3A_41 = tpu.memref_squeeze %dma_wait3A_40 : memref<1x1x2048xf32, #tpu.memory_space<hbm>> -> memref<2048xf32, #tpu.memory_space<hbm>>
        tpu.wait_dma2 semaphore(%run_scoped3A : memref<!tpu.dma_semaphore, #tpu.memory_space<semaphore_mem>>) src(%arg9 : memref<2048xf32, #tpu.memory_space<vmem>>) dst(%dma_wait3A_41 : memref<2048xf32, #tpu.memory_space<hbm>>)
        tpu.yield
      }) : () -> ()
      %scan3A_31 = arith.constant 0 : i32
      scf.yield %scan3A_31 : i32
    }
    %scan3A_10 = arith.constant 64 : i32
    %mul3A_11 = arith.constant 2 : i32
    %mul3A_12 = arith.muli %add3A, %mul3A_11 : i32
    %add3A_13 = arith.constant 1 : i32
    %add3A_14 = arith.addi %mul3A_12, %add3A_13 : i32
    "tpu.region"() ({
      %run_scoped3A = tpu.sem_alloc : memref<!tpu.dma_semaphore, #tpu.memory_space<semaphore_mem>>
      %dma_start3A = arith.constant 0 : i32
      %dma_start3A_22 = tpu.memref_slice %arg3[%add3A_14, %dma_start3A] : memref<64x100000xf32, #tpu.memory_space<hbm>> -> memref<1x100000xf32, #tpu.memory_space<hbm>>
      %dma_start3A_23 = tpu.memref_squeeze %dma_start3A_22 : memref<1x100000xf32, #tpu.memory_space<hbm>> -> memref<100000xf32, #tpu.memory_space<hbm>>
      %dma_start3A_24 = arith.constant 0 : i32
      %dma_start3A_25 = tpu.memref_slice %arg3[%add3A_14, %dma_start3A_24] : memref<64x100000xf32, #tpu.memory_space<hbm>> -> memref<1x100000xf32, #tpu.memory_space<hbm>>
      %dma_start3A_26 = tpu.memref_squeeze %dma_start3A_25 : memref<1x100000xf32, #tpu.memory_space<hbm>> -> memref<100000xf32, #tpu.memory_space<hbm>>
      tpu.enqueue_dma source(%dma_start3A_26 : memref<100000xf32, #tpu.memory_space<hbm>>) target(%arg6 : memref<100000xf32, #tpu.memory_space<vmem>>) target_semaphore(%run_scoped3A : memref<!tpu.dma_semaphore, #tpu.memory_space<semaphore_mem>>)
      %dma_wait3A = arith.constant 0 : i32
      %dma_wait3A_27 = tpu.memref_slice %arg3[%add3A_14, %dma_wait3A] : memref<64x100000xf32, #tpu.memory_space<hbm>> -> memref<1x100000xf32, #tpu.memory_space<hbm>>
      %dma_wait3A_28 = tpu.memref_squeeze %dma_wait3A_27 : memref<1x100000xf32, #tpu.memory_space<hbm>> -> memref<100000xf32, #tpu.memory_space<hbm>>
      %dma_wait3A_29 = arith.constant 0 : i32
      %dma_wait3A_30 = tpu.memref_slice %arg3[%add3A_14, %dma_wait3A_29] : memref<64x100000xf32, #tpu.memory_space<hbm>> -> memref<1x100000xf32, #tpu.memory_space<hbm>>
      %dma_wait3A_31 = tpu.memref_squeeze %dma_wait3A_30 : memref<1x100000xf32, #tpu.memory_space<hbm>> -> memref<100000xf32, #tpu.memory_space<hbm>>
      tpu.wait_dma2 semaphore(%run_scoped3A : memref<!tpu.dma_semaphore, #tpu.memory_space<semaphore_mem>>) src(%dma_wait3A_31 : memref<100000xf32, #tpu.memory_space<hbm>>) dst(%arg6 : memref<100000xf32, #tpu.memory_space<vmem>>)
      tpu.yield
    }) : () -> ()
    "tpu.region"() ({
      %run_scoped3A = tpu.sem_alloc : memref<!tpu.dma_semaphore, #tpu.memory_space<semaphore_mem>>
      %dma_start3A = arith.constant 0 : i32
      %dma_start3A_22 = tpu.memref_slice %arg4[%add3A_14, %dma_start3A] : memref<64x2048xf32, #tpu.memory_space<hbm>> -> memref<1x2048xf32, #tpu.memory_space<hbm>>
      %dma_start3A_23 = tpu.memref_squeeze %dma_start3A_22 : memref<1x2048xf32, #tpu.memory_space<hbm>> -> memref<2048xf32, #tpu.memory_space<hbm>>
      %dma_start3A_24 = arith.constant 0 : i32
      %dma_start3A_25 = tpu.memref_slice %arg4[%add3A_14, %dma_start3A_24] : memref<64x2048xf32, #tpu.memory_space<hbm>> -> memref<1x2048xf32, #tpu.memory_space<hbm>>
      %dma_start3A_26 = tpu.memref_squeeze %dma_start3A_25 : memref<1x2048xf32, #tpu.memory_space<hbm>> -> memref<2048xf32, #tpu.memory_space<hbm>>
      tpu.enqueue_dma source(%dma_start3A_26 : memref<2048xf32, #tpu.memory_space<hbm>>) target(%arg8 : memref<2048xf32, #tpu.memory_space<vmem>>) target_semaphore(%run_scoped3A : memref<!tpu.dma_semaphore, #tpu.memory_space<semaphore_mem>>)
      %dma_wait3A = arith.constant 0 : i32
      %dma_wait3A_27 = tpu.memref_slice %arg4[%add3A_14, %dma_wait3A] : memref<64x2048xf32, #tpu.memory_space<hbm>> -> memref<1x2048xf32, #tpu.memory_space<hbm>>
      %dma_wait3A_28 = tpu.memref_squeeze %dma_wait3A_27 : memref<1x2048xf32, #tpu.memory_space<hbm>> -> memref<2048xf32, #tpu.memory_space<hbm>>
      %dma_wait3A_29 = arith.constant 0 : i32
      %dma_wait3A_30 = tpu.memref_slice %arg4[%add3A_14, %dma_wait3A_29] : memref<64x2048xf32, #tpu.memory_space<hbm>> -> memref<1x2048xf32, #tpu.memory_space<hbm>>
      %dma_wait3A_31 = tpu.memref_squeeze %dma_wait3A_30 : memref<1x2048xf32, #tpu.memory_space<hbm>> -> memref<2048xf32, #tpu.memory_space<hbm>>
      tpu.wait_dma2 semaphore(%run_scoped3A : memref<!tpu.dma_semaphore, #tpu.memory_space<semaphore_mem>>) src(%dma_wait3A_31 : memref<2048xf32, #tpu.memory_space<hbm>>) dst(%arg8 : memref<2048xf32, #tpu.memory_space<vmem>>)
      tpu.yield
    }) : () -> ()
    %scan3A_15 = arith.constant 0 : i32
    %scan3A_16 = arith.constant 0 : i32
    %scan3A_17 = arith.constant 64 : i32
    %scan3A_18 = arith.addi %scan3A_16, %scan3A_17 : i32
    %scan3A_19 = arith.constant 1 : i32
    %scan3A_20 = scf.for %scan3A_22 = %scan3A_16 to %scan3A_18 step %scan3A_19 iter_args(%scan3A_23 = %scan3A_15) -> (i32)  : i32 {
      "tpu.region"() ({
        %run_scoped3A = tpu.sem_alloc : memref<!tpu.dma_semaphore, #tpu.memory_space<semaphore_mem>>
        %dma_start3A = arith.constant 0 : i32
        %dma_start3A_32 = tpu.memref_slice %arg2[%scan3A_22, %dma_start3A] : memref<64x2048xi32, #tpu.memory_space<hbm>> -> memref<1x2048xi32, #tpu.memory_space<hbm>>
        %dma_start3A_33 = tpu.memref_squeeze %dma_start3A_32 : memref<1x2048xi32, #tpu.memory_space<hbm>> -> memref<2048xi32, #tpu.memory_space<hbm>>
        %dma_start3A_34 = arith.constant 0 : i32
        %dma_start3A_35 = tpu.memref_slice %arg2[%scan3A_22, %dma_start3A_34] : memref<64x2048xi32, #tpu.memory_space<hbm>> -> memref<1x2048xi32, #tpu.memory_space<hbm>>
        %dma_start3A_36 = tpu.memref_squeeze %dma_start3A_35 : memref<1x2048xi32, #tpu.memory_space<hbm>> -> memref<2048xi32, #tpu.memory_space<hbm>>
        tpu.enqueue_dma source(%dma_start3A_36 : memref<2048xi32, #tpu.memory_space<hbm>>) target(%arg7 : memref<2048xi32, #tpu.memory_space<vmem>>) target_semaphore(%run_scoped3A : memref<!tpu.dma_semaphore, #tpu.memory_space<semaphore_mem>>)
        %dma_wait3A = arith.constant 0 : i32
        %dma_wait3A_37 = tpu.memref_slice %arg2[%scan3A_22, %dma_wait3A] : memref<64x2048xi32, #tpu.memory_space<hbm>> -> memref<1x2048xi32, #tpu.memory_space<hbm>>
        %dma_wait3A_38 = tpu.memref_squeeze %dma_wait3A_37 : memref<1x2048xi32, #tpu.memory_space<hbm>> -> memref<2048xi32, #tpu.memory_space<hbm>>
        %dma_wait3A_39 = arith.constant 0 : i32
        %dma_wait3A_40 = tpu.memref_slice %arg2[%scan3A_22, %dma_wait3A_39] : memref<64x2048xi32, #tpu.memory_space<hbm>> -> memref<1x2048xi32, #tpu.memory_space<hbm>>
        %dma_wait3A_41 = tpu.memref_squeeze %dma_wait3A_40 : memref<1x2048xi32, #tpu.memory_space<hbm>> -> memref<2048xi32, #tpu.memory_space<hbm>>
        tpu.wait_dma2 semaphore(%run_scoped3A : memref<!tpu.dma_semaphore, #tpu.memory_space<semaphore_mem>>) src(%dma_wait3A_41 : memref<2048xi32, #tpu.memory_space<hbm>>) dst(%arg7 : memref<2048xi32, #tpu.memory_space<vmem>>)
        tpu.yield
      }) : () -> ()
      %scan3A_24 = arith.constant 0 : i32
      %scan3A_25 = arith.constant 0 : i32
      %scan3A_26 = arith.constant 128 : i32
      %scan3A_27 = arith.addi %scan3A_25, %scan3A_26 : i32
      %scan3A_28 = arith.constant 8 : i32
      %scan3A_29 = scf.for %scan3A_32 = %scan3A_25 to %scan3A_27 step %scan3A_28 iter_args(%scan3A_33 = %scan3A_24) -> (i32)  : i32 {
        %mul3A_34 = arith.constant 16 : i32
        %mul3A_35 = arith.muli %scan3A_32, %mul3A_34 : i32
        %get3A = arith.index_cast %mul3A_35 : i32 to index
        %get3A_36 = tpu.vector_load %arg7[%get3A] {strides = array<i32>} : memref<2048xi32, #tpu.memory_space<vmem>>, vector<16xi32>,
        %gather3A = tpu.vector_load_idx %arg6[%get3A_36] : memref<100000xf32, #tpu.memory_space<vmem>>[vector<16xi32>], vector<16xf32>,
        %mul3A_37 = arith.constant 16 : i32
        %mul3A_38 = arith.muli %scan3A_32, %mul3A_37 : i32
        %get3A_39 = arith.index_cast %mul3A_38 : i32 to index
        %get3A_40 = tpu.vector_load %arg8[%get3A_39] {strides = array<i32>} : memref<2048xf32, #tpu.memory_space<vmem>>, vector<16xf32>,
        %add3A_41 = arith.addf %gather3A, %get3A_40 : vector<16xf32>
        %mul3A_42 = arith.constant 16 : i32
        %mul3A_43 = arith.muli %scan3A_32, %mul3A_42 : i32
        %swap3A = arith.index_cast %mul3A_43 : i32 to index
        %swap3A_44 = tpu.vector_load %arg9[%swap3A] {strides = array<i32>} : memref<2048xf32, #tpu.memory_space<vmem>>, vector<16xf32>,
        tpu.vector_store %arg9[%swap3A], %add3A_41 {strides = array<i32>} : memref<2048xf32, #tpu.memory_space<vmem>>, vector<16xf32>,
        %scan3A_45 = arith.constant 0 : i32
        %scan3A_46 = arith.constant 1 : i32
        %scan3A_47 = arith.addi %scan3A_32, %scan3A_46 : i32
        %mul3A_48 = arith.constant 16 : i32
        %mul3A_49 = arith.muli %scan3A_47, %mul3A_48 : i32
        %get3A_50 = arith.index_cast %mul3A_49 : i32 to index
        %get3A_51 = tpu.vector_load %arg7[%get3A_50] {strides = array<i32>} : memref<2048xi32, #tpu.memory_space<vmem>>, vector<16xi32>,
        %gather3A_52 = tpu.vector_load_idx %arg6[%get3A_51] : memref<100000xf32, #tpu.memory_space<vmem>>[vector<16xi32>], vector<16xf32>,
        %mul3A_53 = arith.constant 16 : i32
        %mul3A_54 = arith.muli %scan3A_47, %mul3A_53 : i32
        %get3A_55 = arith.index_cast %mul3A_54 : i32 to index
        %get3A_56 = tpu.vector_load %arg8[%get3A_55] {strides = array<i32>} : memref<2048xf32, #tpu.memory_space<vmem>>, vector<16xf32>,
        %add3A_57 = arith.addf %gather3A_52, %get3A_56 : vector<16xf32>
        %mul3A_58 = arith.constant 16 : i32
        %mul3A_59 = arith.muli %scan3A_47, %mul3A_58 : i32
        %swap3A_60 = arith.index_cast %mul3A_59 : i32 to index
        %swap3A_61 = tpu.vector_load %arg9[%swap3A_60] {strides = array<i32>} : memref<2048xf32, #tpu.memory_space<vmem>>, vector<16xf32>,
        tpu.vector_store %arg9[%swap3A_60], %add3A_57 {strides = array<i32>} : memref<2048xf32, #tpu.memory_space<vmem>>, vector<16xf32>,
        %scan3A_62 = arith.constant 0 : i32
        %scan3A_63 = arith.constant 2 : i32
        %scan3A_64 = arith.addi %scan3A_32, %scan3A_63 : i32
        %mul3A_65 = arith.constant 16 : i32
        %mul3A_66 = arith.muli %scan3A_64, %mul3A_65 : i32
        %get3A_67 = arith.index_cast %mul3A_66 : i32 to index
        %get3A_68 = tpu.vector_load %arg7[%get3A_67] {strides = array<i32>} : memref<2048xi32, #tpu.memory_space<vmem>>, vector<16xi32>,
        %gather3A_69 = tpu.vector_load_idx %arg6[%get3A_68] : memref<100000xf32, #tpu.memory_space<vmem>>[vector<16xi32>], vector<16xf32>,
        %mul3A_70 = arith.constant 16 : i32
        %mul3A_71 = arith.muli %scan3A_64, %mul3A_70 : i32
        %get3A_72 = arith.index_cast %mul3A_71 : i32 to index
        %get3A_73 = tpu.vector_load %arg8[%get3A_72] {strides = array<i32>} : memref<2048xf32, #tpu.memory_space<vmem>>, vector<16xf32>,
        %add3A_74 = arith.addf %gather3A_69, %get3A_73 : vector<16xf32>
        %mul3A_75 = arith.constant 16 : i32
        %mul3A_76 = arith.muli %scan3A_64, %mul3A_75 : i32
        %swap3A_77 = arith.index_cast %mul3A_76 : i32 to index
        %swap3A_78 = tpu.vector_load %arg9[%swap3A_77] {strides = array<i32>} : memref<2048xf32, #tpu.memory_space<vmem>>, vector<16xf32>,
        tpu.vector_store %arg9[%swap3A_77], %add3A_74 {strides = array<i32>} : memref<2048xf32, #tpu.memory_space<vmem>>, vector<16xf32>,
        %scan3A_79 = arith.constant 0 : i32
        %scan3A_80 = arith.constant 3 : i32
        %scan3A_81 = arith.addi %scan3A_32, %scan3A_80 : i32
        %mul3A_82 = arith.constant 16 : i32
        %mul3A_83 = arith.muli %scan3A_81, %mul3A_82 : i32
        %get3A_84 = arith.index_cast %mul3A_83 : i32 to index
        %get3A_85 = tpu.vector_load %arg7[%get3A_84] {strides = array<i32>} : memref<2048xi32, #tpu.memory_space<vmem>>, vector<16xi32>,
        %gather3A_86 = tpu.vector_load_idx %arg6[%get3A_85] : memref<100000xf32, #tpu.memory_space<vmem>>[vector<16xi32>], vector<16xf32>,
        %mul3A_87 = arith.constant 16 : i32
        %mul3A_88 = arith.muli %scan3A_81, %mul3A_87 : i32
        %get3A_89 = arith.index_cast %mul3A_88 : i32 to index
        %get3A_90 = tpu.vector_load %arg8[%get3A_89] {strides = array<i32>} : memref<2048xf32, #tpu.memory_space<vmem>>, vector<16xf32>,
        %add3A_91 = arith.addf %gather3A_86, %get3A_90 : vector<16xf32>
        %mul3A_92 = arith.constant 16 : i32
        %mul3A_93 = arith.muli %scan3A_81, %mul3A_92 : i32
        %swap3A_94 = arith.index_cast %mul3A_93 : i32 to index
        %swap3A_95 = tpu.vector_load %arg9[%swap3A_94] {strides = array<i32>} : memref<2048xf32, #tpu.memory_space<vmem>>, vector<16xf32>,
        tpu.vector_store %arg9[%swap3A_94], %add3A_91 {strides = array<i32>} : memref<2048xf32, #tpu.memory_space<vmem>>, vector<16xf32>,
        %scan3A_96 = arith.constant 0 : i32
        %scan3A_97 = arith.constant 4 : i32
        %scan3A_98 = arith.addi %scan3A_32, %scan3A_97 : i32
        %mul3A_99 = arith.constant 16 : i32
        %mul3A_100 = arith.muli %scan3A_98, %mul3A_99 : i32
        %get3A_101 = arith.index_cast %mul3A_100 : i32 to index
        %get3A_102 = tpu.vector_load %arg7[%get3A_101] {strides = array<i32>} : memref<2048xi32, #tpu.memory_space<vmem>>, vector<16xi32>,
        %gather3A_103 = tpu.vector_load_idx %arg6[%get3A_102] : memref<100000xf32, #tpu.memory_space<vmem>>[vector<16xi32>], vector<16xf32>,
        %mul3A_104 = arith.constant 16 : i32
        %mul3A_105 = arith.muli %scan3A_98, %mul3A_104 : i32
        %get3A_106 = arith.index_cast %mul3A_105 : i32 to index
        %get3A_107 = tpu.vector_load %arg8[%get3A_106] {strides = array<i32>} : memref<2048xf32, #tpu.memory_space<vmem>>, vector<16xf32>,
        %add3A_108 = arith.addf %gather3A_103, %get3A_107 : vector<16xf32>
        %mul3A_109 = arith.constant 16 : i32
        %mul3A_110 = arith.muli %scan3A_98, %mul3A_109 : i32
        %swap3A_111 = arith.index_cast %mul3A_110 : i32 to index
        %swap3A_112 = tpu.vector_load %arg9[%swap3A_111] {strides = array<i32>} : memref<2048xf32, #tpu.memory_space<vmem>>, vector<16xf32>,
        tpu.vector_store %arg9[%swap3A_111], %add3A_108 {strides = array<i32>} : memref<2048xf32, #tpu.memory_space<vmem>>, vector<16xf32>,
        %scan3A_113 = arith.constant 0 : i32
        %scan3A_114 = arith.constant 5 : i32
        %scan3A_115 = arith.addi %scan3A_32, %scan3A_114 : i32
        %mul3A_116 = arith.constant 16 : i32
        %mul3A_117 = arith.muli %scan3A_115, %mul3A_116 : i32
        %get3A_118 = arith.index_cast %mul3A_117 : i32 to index
        %get3A_119 = tpu.vector_load %arg7[%get3A_118] {strides = array<i32>} : memref<2048xi32, #tpu.memory_space<vmem>>, vector<16xi32>,
        %gather3A_120 = tpu.vector_load_idx %arg6[%get3A_119] : memref<100000xf32, #tpu.memory_space<vmem>>[vector<16xi32>], vector<16xf32>,
        %mul3A_121 = arith.constant 16 : i32
        %mul3A_122 = arith.muli %scan3A_115, %mul3A_121 : i32
        %get3A_123 = arith.index_cast %mul3A_122 : i32 to index
        %get3A_124 = tpu.vector_load %arg8[%get3A_123] {strides = array<i32>} : memref<2048xf32, #tpu.memory_space<vmem>>, vector<16xf32>,
        %add3A_125 = arith.addf %gather3A_120, %get3A_124 : vector<16xf32>
        %mul3A_126 = arith.constant 16 : i32
        %mul3A_127 = arith.muli %scan3A_115, %mul3A_126 : i32
        %swap3A_128 = arith.index_cast %mul3A_127 : i32 to index
        %swap3A_129 = tpu.vector_load %arg9[%swap3A_128] {strides = array<i32>} : memref<2048xf32, #tpu.memory_space<vmem>>, vector<16xf32>,
        tpu.vector_store %arg9[%swap3A_128], %add3A_125 {strides = array<i32>} : memref<2048xf32, #tpu.memory_space<vmem>>, vector<16xf32>,
        %scan3A_130 = arith.constant 0 : i32
        %scan3A_131 = arith.constant 6 : i32
        %scan3A_132 = arith.addi %scan3A_32, %scan3A_131 : i32
        %mul3A_133 = arith.constant 16 : i32
        %mul3A_134 = arith.muli %scan3A_132, %mul3A_133 : i32
        %get3A_135 = arith.index_cast %mul3A_134 : i32 to index
        %get3A_136 = tpu.vector_load %arg7[%get3A_135] {strides = array<i32>} : memref<2048xi32, #tpu.memory_space<vmem>>, vector<16xi32>,
        %gather3A_137 = tpu.vector_load_idx %arg6[%get3A_136] : memref<100000xf32, #tpu.memory_space<vmem>>[vector<16xi32>], vector<16xf32>,
        %mul3A_138 = arith.constant 16 : i32
        %mul3A_139 = arith.muli %scan3A_132, %mul3A_138 : i32
        %get3A_140 = arith.index_cast %mul3A_139 : i32 to index
        %get3A_141 = tpu.vector_load %arg8[%get3A_140] {strides = array<i32>} : memref<2048xf32, #tpu.memory_space<vmem>>, vector<16xf32>,
        %add3A_142 = arith.addf %gather3A_137, %get3A_141 : vector<16xf32>
        %mul3A_143 = arith.constant 16 : i32
        %mul3A_144 = arith.muli %scan3A_132, %mul3A_143 : i32
        %swap3A_145 = arith.index_cast %mul3A_144 : i32 to index
        %swap3A_146 = tpu.vector_load %arg9[%swap3A_145] {strides = array<i32>} : memref<2048xf32, #tpu.memory_space<vmem>>, vector<16xf32>,
        tpu.vector_store %arg9[%swap3A_145], %add3A_142 {strides = array<i32>} : memref<2048xf32, #tpu.memory_space<vmem>>, vector<16xf32>,
        %scan3A_147 = arith.constant 0 : i32
        %scan3A_148 = arith.constant 7 : i32
        %scan3A_149 = arith.addi %scan3A_32, %scan3A_148 : i32
        %mul3A_150 = arith.constant 16 : i32
        %mul3A_151 = arith.muli %scan3A_149, %mul3A_150 : i32
        %get3A_152 = arith.index_cast %mul3A_151 : i32 to index
        %get3A_153 = tpu.vector_load %arg7[%get3A_152] {strides = array<i32>} : memref<2048xi32, #tpu.memory_space<vmem>>, vector<16xi32>,
        %gather3A_154 = tpu.vector_load_idx %arg6[%get3A_153] : memref<100000xf32, #tpu.memory_space<vmem>>[vector<16xi32>], vector<16xf32>,
        %mul3A_155 = arith.constant 16 : i32
        %mul3A_156 = arith.muli %scan3A_149, %mul3A_155 : i32
        %get3A_157 = arith.index_cast %mul3A_156 : i32 to index
        %get3A_158 = tpu.vector_load %arg8[%get3A_157] {strides = array<i32>} : memref<2048xf32, #tpu.memory_space<vmem>>, vector<16xf32>,
        %add3A_159 = arith.addf %gather3A_154, %get3A_158 : vector<16xf32>
        %mul3A_160 = arith.constant 16 : i32
        %mul3A_161 = arith.muli %scan3A_149, %mul3A_160 : i32
        %swap3A_162 = arith.index_cast %mul3A_161 : i32 to index
        %swap3A_163 = tpu.vector_load %arg9[%swap3A_162] {strides = array<i32>} : memref<2048xf32, #tpu.memory_space<vmem>>, vector<16xf32>,
        tpu.vector_store %arg9[%swap3A_162], %add3A_159 {strides = array<i32>} : memref<2048xf32, #tpu.memory_space<vmem>>, vector<16xf32>,
        %scan3A_164 = arith.constant 0 : i32
        scf.yield %scan3A_164 : i32
      }
      %scan3A_30 = arith.constant 128 : i32
      "tpu.region"() ({
        %run_scoped3A = tpu.sem_alloc : memref<!tpu.dma_semaphore, #tpu.memory_space<semaphore_mem>>
        %dma_start3A = arith.constant 0 : i32
        %dma_start3A_32 = tpu.memref_slice %arg5[%scan3A_22, %add3A_14, %dma_start3A] : memref<64x64x2048xf32, #tpu.memory_space<hbm>> -> memref<1x1x2048xf32, #tpu.memory_space<hbm>>
        %dma_start3A_33 = tpu.memref_squeeze %dma_start3A_32 : memref<1x1x2048xf32, #tpu.memory_space<hbm>> -> memref<2048xf32, #tpu.memory_space<hbm>>
        %dma_start3A_34 = arith.constant 0 : i32
        %dma_start3A_35 = tpu.memref_slice %arg5[%scan3A_22, %add3A_14, %dma_start3A_34] : memref<64x64x2048xf32, #tpu.memory_space<hbm>> -> memref<1x1x2048xf32, #tpu.memory_space<hbm>>
        %dma_start3A_36 = tpu.memref_squeeze %dma_start3A_35 : memref<1x1x2048xf32, #tpu.memory_space<hbm>> -> memref<2048xf32, #tpu.memory_space<hbm>>
        tpu.enqueue_dma source(%arg9 : memref<2048xf32, #tpu.memory_space<vmem>>) target(%dma_start3A_36 : memref<2048xf32, #tpu.memory_space<hbm>>) target_semaphore(%run_scoped3A : memref<!tpu.dma_semaphore, #tpu.memory_space<semaphore_mem>>)
        %dma_wait3A = arith.constant 0 : i32
        %dma_wait3A_37 = tpu.memref_slice %arg5[%scan3A_22, %add3A_14, %dma_wait3A] : memref<64x64x2048xf32, #tpu.memory_space<hbm>> -> memref<1x1x2048xf32, #tpu.memory_space<hbm>>
        %dma_wait3A_38 = tpu.memref_squeeze %dma_wait3A_37 : memref<1x1x2048xf32, #tpu.memory_space<hbm>> -> memref<2048xf32, #tpu.memory_space<hbm>>
        %dma_wait3A_39 = arith.constant 0 : i32
        %dma_wait3A_40 = tpu.memref_slice %arg5[%scan3A_22, %add3A_14, %dma_wait3A_39] : memref<64x64x2048xf32, #tpu.memory_space<hbm>> -> memref<1x1x2048xf32, #tpu.memory_space<hbm>>
        %dma_wait3A_41 = tpu.memref_squeeze %dma_wait3A_40 : memref<1x1x2048xf32, #tpu.memory_space<hbm>> -> memref<2048xf32, #tpu.memory_space<hbm>>
        tpu.wait_dma2 semaphore(%run_scoped3A : memref<!tpu.dma_semaphore, #tpu.memory_space<semaphore_mem>>) src(%arg9 : memref<2048xf32, #tpu.memory_space<vmem>>) dst(%dma_wait3A_41 : memref<2048xf32, #tpu.memory_space<hbm>>)
        tpu.yield
      }) : () -> ()
      %scan3A_31 = arith.constant 0 : i32
      scf.yield %scan3A_31 : i32
    }
    %scan3A_21 = arith.constant 64 : i32
    return
  }
}

</mosaic_0001>

<sc_bundles>
// kernel: kernel.3.cloned.1.call-start
scs
__scs_entry_jumppad:
0x0: {  	(pc) =	sbr.rel $0x88, $3  }
0x1: {  	(tag) =	ssettag $0x0;
	lr =	simm.s32 $0x1  }
0x2: {  	[smem:$0x3F9E] =	sst lr;
	_ =	strace $0xD0000000  }
0x3: {  	_ = 	snop  }
0x4: {  	_ = 	snop  }
0x5: {  	_ = 	snop  }
0x6: {  	_ = 	snop  }
0x7: {  	_ = 	snop  }
__scs_overlays_trampoline_lowered:
0x8: {  	[smem:$0x3FAD] =	sst s0  }
0x9: {  	[smem:$0x3FAE] =	sst s1  }
0xa: {  	[smem:$0x3FAF] =	sst s2  }
0xb: {  	[smem:$0x3FB0] =	sst s3  }
0xc: {  	[smem:$0x3FB1] =	sst s4  }
0xd: {  	[smem:$0x3FB2] =	sst s5  }
0xe: {  	[smem:$0x3FB3] =	sst s6  }
0xf: {  	[smem:$0x3FB4] =	sst s7  }
0x10: {  	[smem:$0x3FB5] =	sst s8  }
0x11: {  	[smem:$0x3FB6] =	sst s9;
	s0 =	simm.s32 @!p0 $0x0  }
0x12: {  	s1 =	sld [smem:$0x3F9C];
	s0 =	simm.s32 @p0 $0x1  }
0x13: {  	[smem:$0x3FB7] =	sst s0;
	s0 =	simm.s32 @!p1 $0x0  }
0x14: {  	s2 =	sld [smem:$0x3F9B];
	s0 =	simm.s32 @p1 $0x1  }
0x15: {  	[smem:$0x3FB8] =	sst s0;
	s0 =	simm.s32 @!p2 $0x0  }
0x16: {  	s3 =	sld [smem:$0x3FDB];
	s0 =	simm.s32 @p2 $0x1  }
0x17: {  	s4 =	simm.s32 $0x1BF5;
	[smem:$0x3FBA] =	sst s0  }
0x18: {  	s0 =	sld [smem:$0x3F9D];
	_ =	swait.ge [sflag:s4], $0x0  }
0x19: {  	s7 =	sld [smem:$0x3F9E]  }
0x1a: {  	s8 =	sadd.s32 $0xFFFFE003, lr  }
0x1b: {  	s9 =	sadd.s32 $0xFFFFFEF7, lr;
	s5 =	simm.s32 $0xFFFFFFFF;
	p2 =	slt.u32 s8, $0xFFFFF086  }
0x1c: {  	p1 =	slt.u32 s9, $0xF7A;
	s5 =	simm.s32 @!p2 $0x0  }
0x1d: {  	s5 =	simm.s32 @p1 $0x1;
	p0 =	seq.s32 s7, s2  }
0x1e: {  	s7 =	smul.u32 @!p0 $0xF7A, s2;
	p2 =	seq.s32 @!p0 s5, $0x0  }
0x1f: {  	s9 =	smul.u32 $0xF7A, s1;
	s8 =	simm.s32 @!p0 $0x1BF5;
	p2 =	por !p2, p0  }
0x20: {  	[sflag:s8] =	ssyncset.s32 @!p0 $0xFFFFF086;
	s6 =	sadd.s32 @!p0 s3, s7;
	s7 =	simm.s32 @!p0 $0x108  }
0x21: {  	s3 =	sadd.s32 s3, s9;
	s6 =	sadd.s32 @!p0 $0x88, s6;
	s7 =	simm.s32 @p2 $0x1082  }
0x22: {  	[simem:s7], [sflag:s8] =	dma.local @!p0 [hbm:s6], $0xF7A  }
0x23: {  	s9 =	sor.u32 $0xD0000000, s2;
	s6 =	simm.s32 $0x108;
	_ =	swait.ge @!p0 [sflag:s8], $0x0  }
0x24: {  	s3 =	sadd.s32 $0x88, s3;
	s6 =	simm.s32 @!p1 $0x1082;
	[sflag:s4] =	ssyncset.s32 $0xFFFFF086  }
0x25: {  	[simem:s6], [sflag:s4] =	dma.local [hbm:s3], $0xF7A  }
0x26: {  	[smem:$0x3F9E] =	sst s1;
	(tag) =	ssettag s2;
	_ =	strace s9  }
0x27: {  	s1 =	sld [smem:$0x3FAE]  }
0x28: {  	s2 =	sld [smem:$0x3FAF]  }
0x29: {  	s4 =	sld [smem:$0x3FB1]  }
0x2a: {  	p0 =	seq.s32 s5, $0x0;
	s5 =	sld [smem:$0x3FB2]  }
0x2b: {  	s6 =	sld [smem:$0x3FB3]  }
0x2c: {  	s7 =	sld [smem:$0x3FB4]  }
0x2d: {  	s3 =	simm.s32 $0x108;
	s8 =	sld [smem:$0x3FB5]  }
0x2e: {  	s3 =	simm.s32 @!p0 $0x1082;
	s9 =	sld [smem:$0x3FB6]  }
0x2f: {  	lr =	sadd.s32 s0, s3;
	s0 =	sld [smem:$0x3FAD]  }
0x30: {  	s3 =	sld [smem:$0x3FB0]  }
0x31: {  	[smem:$0x3FB9] =	sst s10  }
0x32: {  	s10 =	sld [smem:$0x3FB7];
	_ =	sdelay $0x3  }
0x33: {  	p0 =	seq.s32 s10, $0x1;
	s10 =	sld [smem:$0x3FB9];
	_ =	sdelay $0x3  }
0x34: {  	[smem:$0x3FB9] =	sst s10  }
0x35: {  	s10 =	sld [smem:$0x3FB8];
	_ =	sdelay $0x3  }
0x36: {  	p1 =	seq.s32 s10, $0x1;
	s10 =	sld [smem:$0x3FB9];
	_ =	sdelay $0x3  }
0x37: {  	[smem:$0x3FB9] =	sst s10  }
0x38: {  	s10 =	sld [smem:$0x3FBA]  }
0x39: {  	_ = 	snop;
	(pc) =	sbr.ind lr, $3  }
0x3a: {  	_ = 	snop  }
0x3b: {  	_ = 	snop  }
0x3c: {  	p2 =	seq.s32 s10, $0x1;
	s10 =	sld [smem:$0x3FB9]  }
0x3d: {  	_ =	shalt  }
0x3e: {  	_ =	shalt  }
0x3f: {  	_ =	shalt  }
0x40: {  	_ =	shalt  }
0x41: {  	_ =	shalt  }
0x42: {  	_ =	shalt  }
0x43: {  	_ =	shalt  }
0x44: {  	_ =	shalt  }
0x45: {  	_ =	shalt  }
0x46: {  	_ =	shalt  }
0x47: {  	_ =	shalt  }
0x48: {  	_ =	shalt  }
0x49: {  	_ =	shalt  }
0x4a: {  	_ =	shalt  }
0x4b: {  	_ =	shalt  }
0x4c: {  	_ =	shalt  }
0x4d: {  	_ =	shalt  }
0x4e: {  	_ =	shalt  }
0x4f: {  	_ =	shalt  }
0x50: {  	_ =	shalt  }
0x51: {  	_ =	shalt  }
0x52: {  	_ =	shalt  }
0x53: {  	_ =	shalt  }
0x54: {  	_ =	shalt  }
0x55: {  	_ =	shalt  }
0x56: {  	_ =	shalt  }
0x57: {  	_ =	shalt  }
0x58: {  	_ =	shalt  }
0x59: {  	_ =	shalt  }
0x5a: {  	_ =	shalt  }
0x5b: {  	_ =	shalt  }
0x5c: {  	_ =	shalt  }
0x5d: {  	_ =	shalt  }
0x5e: {  	_ =	shalt  }
0x5f: {  	_ =	shalt  }
0x60: {  	_ =	shalt  }
0x61: {  	_ =	shalt  }
0x62: {  	_ =	shalt  }
0x63: {  	_ =	shalt  }
0x64: {  	_ =	shalt  }
0x65: {  	_ =	shalt  }
0x66: {  	_ =	shalt  }
0x67: {  	_ =	shalt  }
0x68: {  	_ =	shalt  }
0x69: {  	_ =	shalt  }
0x6a: {  	_ =	shalt  }
0x6b: {  	_ =	shalt  }
0x6c: {  	_ =	shalt  }
0x6d: {  	_ =	shalt  }
0x6e: {  	_ =	shalt  }
0x6f: {  	_ =	shalt  }
0x70: {  	_ =	shalt  }
0x71: {  	_ =	shalt  }
0x72: {  	_ =	shalt  }
0x73: {  	_ =	shalt  }
0x74: {  	_ =	shalt  }
0x75: {  	_ =	shalt  }
0x76: {  	_ =	shalt  }
0x77: {  	_ =	shalt  }
0x78: {  	_ =	shalt  }
0x79: {  	_ =	shalt  }
0x7a: {  	_ =	shalt  }
0x7b: {  	_ =	shalt  }
0x7c: {  	_ =	shalt  }
0x7d: {  	_ =	shalt  }
0x7e: {  	_ =	shalt  }
0x7f: {  	_ =	shalt  }
0x80: {  	_ =	shalt  }
0x81: {  	_ =	shalt  }
0x82: {  	_ =	shalt  }
0x83: {  	_ =	shalt  }
0x84: {  	_ =	shalt  }
0x85: {  	_ =	shalt  }
0x86: {  	_ =	shalt  }
0x87: {  	_ =	shalt  }
.Lfunc_end0:
.L_simem_size_0:
called_computation_lowered:
.L_overlay_start_0:
0x88: {  	s2 =	sld [smem:$0x3FD9]  }
0x89: {  	s3 =	sld [smem:$0x3FFE];
	_ =	sdelay $0x1  }
0x8a: {  	s1 =	srdreg.scid  }
0x8b: {  	s0 =	sand.u32 $0x1, s1  }
0x8c: {  	s18 =	sshll.u32 s0, $0xA;
	s2 =	sadd.s32 s3, s2  }
0x8d: {  	s2 =	sadd.s32 s2, s18  }
0x8e: {  	[smem:$0x3FC5] =	sst s2  }
0x8f: {  	_ = 	snop  }
0x90: {  	s2 =	sld [smem:$0x3FC9]  }
0x91: {  	s19 =	sld [smem:$0x3FC8]  }
0x92: {  	s4 =	sld [smem:$0x3FC7]  }
0x93: {  	s5 =	sld [smem:$0x3FD0];
	(tm) =	ssettm $0x1  }
0x94: {  	s6 =	sld [smem:$0x3FFB];
	_ =	sdelay $0x3  }
0x95: {  	_ =	strace s6  }
0x96: {  	s6 =	sld [smem:$0x3FFC];
	_ =	sdelay $0x3  }
0x97: {  	_ =	strace s6  }
0x98: {  	s6 =	sld [smem:$0x3FFD];
	_ =	sdelay $0x3  }
0x99: {  	_ =	strace s6  }
0x9a: {  	_ =	strace $0x8FFFFFFF  }
0x9b: {  	s20 =	sld [smem:$0x3FDB];
	_ =	sdelay $0x1  }
0x9c: {  	s7 =	simm.s32 $_scs_section_size  }
0x9d: {  	s8 =	simm.s32 $_size__tile_overlayer_lowered;
	s9 =	simm.s32 $_tile_overlayer_lowered  }
0x9e: {  	s23 =	simm.s32 $0x1BFF;
	s22 =	sshll.u32 s9, $0x1;
	s6 =	sadd.s32 s7, s20  }
0x9f: {  	s10 =	simm.s32 $0x0;
	s21 =	sshll.u32 s8, $0x1;
	s8 =	sadd.s32 s22, s6  }
0xa0: {  	[timem:s10], [sflag:s23] =	dma.local [hbm:s8], s21  }
0xa1: {  	_ =	swait.ge [sflag:s23], s21  }
0xa2: {  	s7 =	ssub.s32 $0x0, s21;
	[sflag:s23] =	ssyncset.done $0x0  }
0xa3: {  	[sflag:s23] =	ssyncadd.s32 s7;
	_ =	sdelay $0x1  }
0xa4: {  	s24 =	simm.s32 $0x1B8B  }
0xa5: {  	_ =	swait.ge [sflag:s24], $0x1  }
0xa6: {  	[sflag:s24] =	ssyncset.done $0x0  }
0xa7: {  	s25 =	simm.s32 $0x1B8E;
	[sflag:s24] =	ssyncadd.s32 $0xFFFFFFFF  }
0xa8: {  	s26 =	simm.s32 $execute0_lowered;
	[smem:$0x3FD2] =	sst s25  }
0xa9: {  	s7 =	sshll.u32 s26, $0x1;
	_ =	strace $0x80000046;
	[dreg:$0x1] =	wrdreg $0xFFFFFFFF  }
0xaa: {  	s28 =	simm.s32 $_size_execute0_lowered;
	s6 =	sadd.s32 s6, s7;
	[dreg:$0x0] =	wrdreg $0x0  }
0xab: {  	s7 =	sshll.u32 s28, $0x1;
	[dreg:$0x2] =	wrdreg s6  }
0xac: {  	[dreg:$0x3] =	wrdreg s7  }
0xad: {  	[dreg:$0x4] =	wrdreg $0xC0  }
0xae: {  	_ =	task [dreg:s10], $0x5FFFF  }
0xaf: {  	[dreg:$0x1] =	wrdreg $0xFFFFFFFF  }
0xb0: {  	[dreg:$0x0] =	wrdreg $0x60  }
0xb1: {  	[dreg:$0x2] =	wrdreg s2  }
0xb2: {  	[dreg:$0x3] =	wrdreg s19  }
0xb3: {  	[dreg:$0x4] =	wrdreg s4  }
0xb4: {  	[dreg:$0x5] =	wrdreg s5  }
0xb5: {  	[dreg:$0x6] =	wrdreg $0x9  }
0xb6: {  	_ =	task.clear_ibuf [dreg:s10], $0x7FFFF;
	_ =	strace $0x90000046  }
0xb7: {  	s29 =	simm.s32 $0x9;
	_ =	strace $0x80000048  }
0xb8: {  	_ =	swait.ge [sflag:s29], $0x1  }
0xb9: {  	[sflag:s29] =	ssyncadd.s32 $0xFFFFFFFF  }
0xba: {  	_ =	strace $0x90000048  }
0xbb: {  	_ =	sfence  }
0xbc: {  	s30 =	sld [smem:$0x0];
	_ =	sdelay $0x2  }
0xbd: {  	s31 =	sshll.u32 s1, $0xD;
	s1 =	sshrl.u32 s1, $0x2  }
0xbe: {  	s3 =	sand.u32 $0x4000, s31;
	s1 =	sadd.s32 s1, s30  }
0xbf: {  	s0 =	sor.u32 s3, s0;
	s1 =	sshll.u32 s1, $0x11  }
0xc0: {  	s0 =	sor.u32 s1, s0  }
0xc1: {  	s0 =	sadd.s32 $0x8F2B, s0  }
0xc2: {  	[sflag:s0] =	ssyncadd.remote.s32 $0x1  }
0xc3: {  	_ =	sfence.sel $0xFFFF  }
0xc4: {  	[dreg:$0x0] =	wrdreg $0xFFFFFFFF;
	(pc) =	sbr.abs _section_cstart, $3  }
0xc5: {  	[dreg:$0x1] =	wrdreg $0xFFFFFFFF  }
0xc6: {  	_ =	task.clear_ibuf [dreg:s10], $0x2FFFF;
	_ =	strace $0x9FFFFFFF  }
0xc7: {  	(tm) =	ssettm $0x7FFFFFFF  }
tec
execute0_lowered:
.L_overlay_start_1:
0x0: {  	(tag) =	ssettag $0x1  }
0x1: {  	s1 =	rddreg [dreg:$0x0]  }
0x2: {  	s9 =	rddreg [dreg:$0x1]  }
0x3: {  	s10 =	rddreg [dreg:$0x2]  }
0x4: {  	s3 =	rddreg [dreg:$0x3]  }
0x5: {  	s0 =	rddreg [dreg:$0x4];
	s5 =	srdreg.scid  }
0x6: {  	s4 =	simm.s32 $0x0;
	s2 =	stileid.u32;
	s15 =	simm.s32 $0x18F00  }
0x7: {  	s16 =	simm.s32 $0x18700;
	s17 =	simm.s32 $0x19700;
	s18 =	simm.s32 $0x0  }
0x8: {  	s5 =	sand.u32 $0x1, s5;
	s7 =	sshll.u32 s2, $0x9;
	s8 =	sshrl.u32 s2, $0x1  }
0x9: {  	[smem:$0x7FF] =	sst s4;
	s6 =	ssub.s32 $0x2, s5;
	s5 =	sshll.u32 s5, $0x8  }
0xa: {  	s7 =	sand.u32 $0x200, s7;
	s11 =	smul.u32 $0xC3800, s8;
	_ =	strace $0x80000047  }
0xb: {  	s8 =	sshll.u32 s8, $0xE;
	s12 =	sshrl.u32 s6, $0x1;
	s7 =	sor.u32 s5, s7  }
0xc: {  	s12 =	ssub.s32 s6, s12;
	s5 =	sor.u32 s11, s7;
	s13 =	sor.u32 $0x80, s7  }
0xd: {  	s6 =	sor.u32 s8, s7;
	s5 =	sshrl.u32 s5, $0x3;
	s29 =	sor.u32 s11, s13  }
0xe: {  	s30 =	sshrl.u32 s6, $0x3;
	s7 =	sor.u32 s8, s13;
	s11 =	smax.u32 s12, $0x1  }
0xf: {  	s12 =	simm.s32 $0x80;
	s13 =	simm.s32 $0x400;
	s5 =	sadd.s32 s9, s5  }
0x10: {  	s14 =	sshrl.u32 s29, $0x3;
	s8 =	sadd.s32 s10, s30;
	s31 =	sshrl.u32 s7, $0x3  }
0x11: {  	s9 =	sadd.s32 s9, s14;
	s10 =	sadd.s32 s10, s31;
	s14 =	simm.s32 $0x1  }
.LBB2_1:
0x12: {  	[tilespmem:s4], [sflag:$0x1] =	stream.strided.gather [hbm4b:s5+s12], $0x18700, s13, s12, $0x38;
	[tilespmem:$0x19F00] =	vst v63  }
0x13: {  	_ =	swait.ge [sflag:s14], $0x18700  }
0x14: {  	[sflag:s14] =	ssyncset.done $0x0  }
0x15: {  	[sflag:s14] =	ssyncadd.s32 $0xFFFE7900  }
0x16: {  	[tilespmem:s15], [sflag:$0x1] =	stream.strided.gather [hbm4b:s8+s12], $0x800, s13, s12, $0x38;
	[tilespmem:$0x19F00] =	vst v63  }
0x17: {  	_ =	swait.ge [sflag:s14], $0x800  }
0x18: {  	[sflag:s14] =	ssyncset.done $0x0  }
0x19: {  	s19 =	simm.s32 $0x0;
	[sflag:s14] =	ssyncadd.s32 $0xFFFFF800  }
.LBB2_2:
0x1a: {  	s20 =	sshll.u32 s19, $0x4  }
0x1b: {  	s21 =	sshll.u32 s19, $0x8;
	s20 =	sand.u32 $0x70, s20  }
0x1c: {  	s21 =	sand.u32 $0x3800, s21;
	s20 =	sadd.s32 s1, s20  }
0x1d: {  	s20 =	sadd.s32 s21, s20  }
0x1e: {  	[tilespmem:s16], [sflag:$0x1] =	stream.strided.gather [hbm4b:s20+s12], $0x800, s13, s12, $0x38;
	[tilespmem:$0x19F00] =	vst v63  }
0x1f: {  	_ =	swait.ge [sflag:s14], $0x800  }
0x20: {  	s22 =	simm.s32 $0x18F40;
	s23 =	simm.s32 $0x19740;
	[sflag:s14] =	ssyncset.done $0x0  }
0x21: {  	s21 =	simm.s32 $0x18740;
	s20 =	simm.s32 $0xFFFFFFF8;
	[sflag:s14] =	ssyncadd.s32 $0xFFFFF800  }
.LBB2_3:
0x22: {  	v0 =	vld [tilespmem:s21+$0xFFFFFFC0];
	_ =	sdelay $0x6  }
0x23: {  	v1 =	vld [tilespmem:s22+$0xFFFFFFC0]  }
0x24: {  	v0 =	vld.idx.msk [tilespmem:v0+s4+$0x0], $0xffff;
	_ =	sdelay $0x4  }
0x25: {  	v0 =	vadd.f32 v1, v0;
	_ =	sdelay $0x1  }
0x26: {  	[tilespmem:s23+$0xFFFFFFC0] =	vst v0  }
0x27: {  	v0 =	vld [tilespmem:s21+$0xFFFFFFD0];
	_ =	sdelay $0x6  }
0x28: {  	v57 =	vld [tilespmem:s22+$0xFFFFFFD0]  }
0x29: {  	v0 =	vld.idx.msk [tilespmem:v0+s4+$0x0], $0xffff;
	_ =	sdelay $0x4  }
0x2a: {  	v0 =	vadd.f32 v57, v0;
	_ =	sdelay $0x1  }
0x2b: {  	[tilespmem:s23+$0xFFFFFFD0] =	vst v0  }
0x2c: {  	v0 =	vld [tilespmem:s21+$0xFFFFFFE0];
	_ =	sdelay $0x6  }
0x2d: {  	v58 =	vld [tilespmem:s22+$0xFFFFFFE0]  }
0x2e: {  	v0 =	vld.idx.msk [tilespmem:v0+s4+$0x0], $0xffff;
	_ =	sdelay $0x4  }
0x2f: {  	v0 =	vadd.f32 v58, v0;
	_ =	sdelay $0x1  }
0x30: {  	[tilespmem:s23+$0xFFFFFFE0] =	vst v0  }
0x31: {  	v0 =	vld [tilespmem:s21+$0xFFFFFFF0];
	_ =	sdelay $0x6  }
0x32: {  	v59 =	vld [tilespmem:s22+$0xFFFFFFF0]  }
0x33: {  	v0 =	vld.idx.msk [tilespmem:v0+s4+$0x0], $0xffff;
	_ =	sdelay $0x4  }
0x34: {  	v0 =	vadd.f32 v59, v0;
	_ =	sdelay $0x1  }
0x35: {  	[tilespmem:s23+$0xFFFFFFF0] =	vst v0  }
0x36: {  	v0 =	vld [tilespmem:s21+$0x0];
	_ =	sdelay $0x6  }
0x37: {  	v60 =	vld [tilespmem:s22+$0x0]  }
0x38: {  	v0 =	vld.idx.msk [tilespmem:v0+s4+$0x0], $0xffff;
	_ =	sdelay $0x4  }
0x39: {  	v0 =	vadd.f32 v60, v0;
	_ =	sdelay $0x1  }
0x3a: {  	[tilespmem:s23+$0x0] =	vst v0  }
0x3b: {  	v0 =	vld [tilespmem:s21+$0x10];
	_ =	sdelay $0x6  }
0x3c: {  	v61 =	vld [tilespmem:s22+$0x10]  }
0x3d: {  	v0 =	vld.idx.msk [tilespmem:v0+s4+$0x0], $0xffff;
	_ =	sdelay $0x4  }
0x3e: {  	v0 =	vadd.f32 v61, v0;
	_ =	sdelay $0x1  }
0x3f: {  	[tilespmem:s23+$0x10] =	vst v0  }
0x40: {  	v0 =	vld [tilespmem:s21+$0x20];
	_ =	sdelay $0x6  }
0x41: {  	v62 =	vld [tilespmem:s22+$0x20]  }
0x42: {  	v0 =	vld.idx.msk [tilespmem:v0+s4+$0x0], $0xffff;
	_ =	sdelay $0x4  }
0x43: {  	v0 =	vadd.f32 v62, v0;
	_ =	sdelay $0x1  }
0x44: {  	[tilespmem:s23+$0x20] =	vst v0  }
0x45: {  	v0 =	vld [tilespmem:s21+$0x30];
	_ =	sdelay $0x6  }
0x46: {  	v63 =	vld [tilespmem:s22+$0x30]  }
0x47: {  	v0 =	vld.idx.msk [tilespmem:v0+s4+$0x0], $0xffff  }
0x48: {  	s20 =	sadd.s32 $0x8, s20  }
0x49: {  	p0 =	slt.u32 s20, $0x78  }
.Ltmp0:
0x4a: {  	_ = 	snop;
	(pc) =	sbr.rel @p0 .LBB2_3-.Ltmp0, $3  }
0x4b: {  	_ = 	snop  }
0x4c: {  	v0 =	vadd.f32 v63, v0;
	_ =	sdelay $0x1  }
0x4d: {  	s21 =	sadd.s32 $0x80, s21;
	s22 =	sadd.s32 $0x80, s22;
	[tilespmem:s23+$0x30] =	vst v0;
	s23 =	sadd.s32 $0x80, s23  }
0x4e: {  	s20 =	sshll.u32 s19, $0x11  }
0x4f: {  	s19 =	sadd.s32 $0x1, s19;
	s20 =	sor.u32 s6, s20  }
0x50: {  	p0 =	sne.s32 s19, $0x40;
	s20 =	sshrl.u32 s20, $0x3  }
.Ltmp1:
0x51: {  	s20 =	sadd.s32 s3, s20;
	(pc) =	sbr.rel @p0 .LBB2_2-.Ltmp1, $4  }
0x52: {  	[hbm4b:s20+s12] =	stream.strided.scatter [tilespmem:s17], [sflag:$0x1], $0x800, s13, s12, $0x38;
	[tilespmem:$0x19F00] =	vst v63  }
0x53: {  	_ =	swait.ge [sflag:s14], $0x800  }
0x54: {  	[sflag:s14] =	ssyncset.done $0x0  }
0x55: {  	[sflag:s14] =	ssyncadd.s32 $0xFFFFF800  }
0x56: {  	s19 =	simm.s32 $0x0  }
0x57: {  	[tilespmem:s19], [sflag:$0x1] =	stream.strided.gather [hbm4b:s9+s12], $0x18700, s13, s12, $0x38;
	[tilespmem:$0x19F00] =	vst v63  }
0x58: {  	_ =	swait.ge [sflag:s14], $0x18700  }
0x59: {  	[sflag:s14] =	ssyncset.done $0x0  }
0x5a: {  	[sflag:s14] =	ssyncadd.s32 $0xFFFE7900  }
0x5b: {  	[tilespmem:s15], [sflag:$0x1] =	stream.strided.gather [hbm4b:s10+s12], $0x800, s13, s12, $0x38;
	[tilespmem:$0x19F00] =	vst v63  }
0x5c: {  	_ =	swait.ge [sflag:s14], $0x800  }
0x5d: {  	[sflag:s14] =	ssyncset.done $0x0  }
0x5e: {  	[sflag:s14] =	ssyncadd.s32 $0xFFFFF800  }
.LBB2_6:
0x5f: {  	s20 =	sshll.u32 s19, $0x4  }
0x60: {  	s21 =	sshll.u32 s19, $0x8;
	s20 =	sand.u32 $0x70, s20  }
0x61: {  	s21 =	sand.u32 $0x3800, s21;
	s20 =	sadd.s32 s1, s20  }
0x62: {  	s20 =	sadd.s32 s21, s20  }
0x63: {  	[tilespmem:s16], [sflag:$0x1] =	stream.strided.gather [hbm4b:s20+s12], $0x800, s13, s12, $0x38;
	[tilespmem:$0x19F00] =	vst v63  }
0x64: {  	_ =	swait.ge [sflag:s14], $0x800  }
0x65: {  	s22 =	simm.s32 $0x18F40;
	s23 =	simm.s32 $0x19740;
	[sflag:s14] =	ssyncset.done $0x0  }
0x66: {  	s21 =	simm.s32 $0x18740;
	s20 =	simm.s32 $0xFFFFFFF8;
	[sflag:s14] =	ssyncadd.s32 $0xFFFFF800  }
.LBB2_7:
0x67: {  	v0 =	vld [tilespmem:s21+$0xFFFFFFC0];
	_ =	sdelay $0x6  }
0x68: {  	v1 =	vld [tilespmem:s22+$0xFFFFFFC0]  }
0x69: {  	v0 =	vld.idx.msk [tilespmem:v0+s4+$0x0], $0xffff;
	_ =	sdelay $0x4  }
0x6a: {  	v0 =	vadd.f32 v1, v0;
	_ =	sdelay $0x1  }
0x6b: {  	[tilespmem:s23+$0xFFFFFFC0] =	vst v0  }
0x6c: {  	v0 =	vld [tilespmem:s21+$0xFFFFFFD0];
	_ =	sdelay $0x6  }
0x6d: {  	v57 =	vld [tilespmem:s22+$0xFFFFFFD0]  }
0x6e: {  	v0 =	vld.idx.msk [tilespmem:v0+s4+$0x0], $0xffff;
	_ =	sdelay $0x4  }
0x6f: {  	v0 =	vadd.f32 v57, v0;
	_ =	sdelay $0x1  }
0x70: {  	[tilespmem:s23+$0xFFFFFFD0] =	vst v0  }
0x71: {  	v0 =	vld [tilespmem:s21+$0xFFFFFFE0];
	_ =	sdelay $0x6  }
0x72: {  	v58 =	vld [tilespmem:s22+$0xFFFFFFE0]  }
0x73: {  	v0 =	vld.idx.msk [tilespmem:v0+s4+$0x0], $0xffff;
	_ =	sdelay $0x4  }
0x74: {  	v0 =	vadd.f32 v58, v0;
	_ =	sdelay $0x1  }
0x75: {  	[tilespmem:s23+$0xFFFFFFE0] =	vst v0  }
0x76: {  	v0 =	vld [tilespmem:s21+$0xFFFFFFF0];
	_ =	sdelay $0x6  }
0x77: {  	v59 =	vld [tilespmem:s22+$0xFFFFFFF0]  }
0x78: {  	v0 =	vld.idx.msk [tilespmem:v0+s4+$0x0], $0xffff;
	_ =	sdelay $0x4  }
0x79: {  	v0 =	vadd.f32 v59, v0;
	_ =	sdelay $0x1  }
0x7a: {  	[tilespmem:s23+$0xFFFFFFF0] =	vst v0  }
0x7b: {  	v0 =	vld [tilespmem:s21+$0x0];
	_ =	sdelay $0x6  }
0x7c: {  	v60 =	vld [tilespmem:s22+$0x0]  }
0x7d: {  	v0 =	vld.idx.msk [tilespmem:v0+s4+$0x0], $0xffff;
	_ =	sdelay $0x4  }
0x7e: {  	v0 =	vadd.f32 v60, v0;
	_ =	sdelay $0x1  }
0x7f: {  	[tilespmem:s23+$0x0] =	vst v0  }
0x80: {  	v0 =	vld [tilespmem:s21+$0x10];
	_ =	sdelay $0x6  }
0x81: {  	v61 =	vld [tilespmem:s22+$0x10]  }
0x82: {  	v0 =	vld.idx.msk [tilespmem:v0+s4+$0x0], $0xffff;
	_ =	sdelay $0x4  }
0x83: {  	v0 =	vadd.f32 v61, v0;
	_ =	sdelay $0x1  }
0x84: {  	[tilespmem:s23+$0x10] =	vst v0  }
0x85: {  	v0 =	vld [tilespmem:s21+$0x20];
	_ =	sdelay $0x6  }
0x86: {  	v62 =	vld [tilespmem:s22+$0x20]  }
0x87: {  	v0 =	vld.idx.msk [tilespmem:v0+s4+$0x0], $0xffff;
	_ =	sdelay $0x4  }
0x88: {  	v0 =	vadd.f32 v62, v0;
	_ =	sdelay $0x1  }
0x89: {  	[tilespmem:s23+$0x20] =	vst v0  }
0x8a: {  	v0 =	vld [tilespmem:s21+$0x30];
	_ =	sdelay $0x6  }
0x8b: {  	v63 =	vld [tilespmem:s22+$0x30]  }
0x8c: {  	v0 =	vld.idx.msk [tilespmem:v0+s4+$0x0], $0xffff  }
0x8d: {  	s20 =	sadd.s32 $0x8, s20  }
0x8e: {  	p0 =	slt.u32 s20, $0x78  }
.Ltmp2:
0x8f: {  	_ = 	snop;
	(pc) =	sbr.rel @p0 .LBB2_7-.Ltmp2, $3  }
0x90: {  	_ = 	snop  }
0x91: {  	v0 =	vadd.f32 v63, v0;
	_ =	sdelay $0x1  }
0x92: {  	s21 =	sadd.s32 $0x80, s21;
	s22 =	sadd.s32 $0x80, s22;
	[tilespmem:s23+$0x30] =	vst v0;
	s23 =	sadd.s32 $0x80, s23  }
0x93: {  	s20 =	sshll.u32 s19, $0x11  }
0x94: {  	s19 =	sadd.s32 $0x1, s19;
	s20 =	sor.u32 s7, s20  }
0x95: {  	p0 =	sne.s32 s19, $0x40;
	s20 =	sshrl.u32 s20, $0x3  }
.Ltmp3:
0x96: {  	s20 =	sadd.s32 s3, s20;
	(pc) =	sbr.rel @p0 .LBB2_6-.Ltmp3, $4  }
0x97: {  	[hbm4b:s20+s12] =	stream.strided.scatter [tilespmem:s17], [sflag:$0x1], $0x800, s13, s12, $0x38;
	[tilespmem:$0x19F00] =	vst v63  }
0x98: {  	_ =	swait.ge [sflag:s14], $0x800  }
0x99: {  	[sflag:s14] =	ssyncset.done $0x0  }
0x9a: {  	[sflag:s14] =	ssyncadd.s32 $0xFFFFF800  }
0x9b: {  	s18 =	sadd.s32 $0x1, s18  }
0x9c: {  	p0 =	sne.s32 s18, s11  }
.Ltmp4:
0x9d: {  	_ = 	snop;
	(pc) =	sbr.rel @p0 .LBB2_1-.Ltmp4, $1  }
0x9e: {  	_ =	sdelay $0x3  }
0x9f: {  	_ =	sfence.sel $0x180000  }
0xa0: {  	[bflag:$0x0] =	sbarrier.arrive $0xFFFF  }
0xa1: {  	p0 =	sne.s32 s2, $0x0;
	_ =	strace $0x90000047  }
0xa2: {  	s0 =	sadd.s32 @!p0 $0x100000, s0;
	[bflag:$0x2] =	sbarrier.arrive $0xFFFF  }
0xa3: {  	[sflag:s0] =	ssyncadd.tile.s32 @!p0 $0x1;
	_ =	shalt  }
.Lfunc_end2:
_tile_overlayer_lowered:
.L_overlay_start_2:
0xa4: {  	(tag) =	ssettag $0x2  }
0xa5: {  	s0 =	rddreg [dreg:$0x0];
	s2 =	stileid.u32  }
0xa6: {  	s1 =	rddreg [dreg:$0x1];
	p0 =	sne.s32 s2, $0x0  }
0xa7: {  	s3 =	rddreg [dreg:$0x2];
	[bflag:$0x3] =	sbarrier.arrive $0xFFFF;
	s2 =	simm.s32 @!p0 $0x1C01  }
0xa8: {  	[timem:s3], [sflag:s2] =	dma.local @!p0 [hbm:s0], s1  }
0xa9: {  	s0 =	simm.s32 @!p0 $0x1  }
0xaa: {  	_ =	swait.ge @!p0 [sflag:s0], s1  }
0xab: {  	s1 =	ssub.s32 @!p0 $0x0, s1;
	[sflag:s0] =	ssyncset.done @!p0 $0x0  }
0xac: {  	[sflag:s0] =	ssyncadd.s32 @!p0 s1  }
0xad: {  	[bflag:$0x3] =	sbarrier.arrive $0xFFFF  }
0xae: {  	_ =	shalt  }

</sc_bundles>
